<compile_context>
chip_gen: v7x
topology: tpu7x:2x2x1
jax: 0.10.2.dev20260603
libtpu: 0.0.44.dev20260713+nightly
codegen_flags: <defaults>
</compile_context>

<pallas_src>
import functools

import jax
import jax.numpy as jnp
from jax import lax
from jax.experimental import pallas as pl
from jax.experimental.pallas import tpu as pltpu, tpu_sc as plsc

_info = plsc.get_sparse_core_info()
_NC, _NS = _info.num_cores, _info.num_subcores
_NW = _NC * _NS

_NB = 4096
_SEQ = 50
_B = _NB * _SEQ
_D = 128
_BPW = _B // _NW
_C = 400
_S = _BPW // _C


@functools.partial(
    pl.kernel,
    mesh=plsc.VectorSubcoreMesh(core_axis_name="c", subcore_axis_name="s"),
    out_type=jax.ShapeDtypeStruct((_B, _D), jnp.float32),
    scratch_types=[
        pltpu.VMEM((_BPW,), jnp.int32),
        pltpu.VMEM((_C, _D), jnp.float32),
        pltpu.VMEM((_C, _D), jnp.float32),
        pltpu.SemaphoreType.DMA,
        pltpu.SemaphoreType.DMA,
    ],
)
def _lookup(table_hbm, idx_hbm, out_hbm, idx_v, rows0, rows1, sem0, sem1):
    wid = lax.axis_index("s") * _NC + lax.axis_index("c")
    base = wid * _BPW
    pltpu.sync_copy(idx_hbm.at[pl.ds(base, 2 * _C)], idx_v.at[pl.ds(0, 2 * _C)])

    rows = [rows0, rows1]
    sems = [sem0, sem1]

    _H = _C // 2

    def gather(t, b):
        pltpu.async_copy(
            table_hbm.at[idx_v.at[pl.ds(t * _C, _H)]],
            rows[b].at[pl.ds(0, _H)], sems[b]
        )
        pltpu.async_copy(
            table_hbm.at[idx_v.at[pl.ds(t * _C + _H, _H)]],
            rows[b].at[pl.ds(_H, _H)], sems[b]
        )

    def step(t, b):
        pltpu.make_async_copy(out_hbm.at[pl.ds(base, _C)], rows[b], sems[b]).wait()
        pltpu.sync_copy(rows[b], out_hbm.at[pl.ds(base + t * _C, _C)])

    gather(0, 0)
    gather(1, 1)
    pltpu.sync_copy(
        idx_hbm.at[pl.ds(base + 2 * _C, _BPW - 2 * _C)],
        idx_v.at[pl.ds(2 * _C, _BPW - 2 * _C)],
    )

    def body(i, carry):
        t0 = 2 * i
        for j in range(2):
            step(t0 + j, j)
            gather(t0 + j + 2, j)
        return carry

    lax.fori_loop(0, (_S - 2) // 2, body, 0)
    step(_S - 2, 0)
    step(_S - 1, 1)


def kernel(inputs, embedding_weights):
    idx_t = inputs.T.reshape(-1).astype(jnp.int32)
    out_t = _lookup(embedding_weights, idx_t)
    return out_t.reshape(_SEQ, _NB, _D).transpose(1, 0, 2)

# --- scband reference (transcript-rebuilt; emitter-appended) ---
"""Pipeline reference for scband-embedding-layer-53515292508182 (READ-ONLY COPY).

The authoritative reference and input builder live on the scoring server;
editing this copy changes nothing except your own understanding.
"""

import jax, jax.numpy as jnp
import numpy as np


def setup_inputs(seed: int = 0) -> dict:
    key = jax.random.key(seed)
    k1, k2 = jax.random.split(key)
    inputs = jax.random.randint(k1, (4096, 50), 0, 100000, dtype=jnp.int64 if jax.config.jax_enable_x64 else jnp.int32)
    embedding_weights = jax.random.uniform(k2, (100000, 128), dtype=jnp.float32)
    return {"inputs": inputs, "embedding_weights": embedding_weights}


def reference(inputs, embedding_weights):
    # tf.nn.embedding_lookup(params=embedding_weights, ids=inputs)
    return jnp.take(embedding_weights, inputs, axis=0)

if __name__ == "__main__":
    import jax
    _d = setup_inputs()
    print(jax.jit(kernel)(*tuple(_d.values())))

</pallas_src>

<mosaic_0001>
#map = affine_map<(d0, d1) -> (0, 0)>
#map1 = affine_map<(d0, d1) -> (0)>
module attributes {stable_mosaic.version = 14 : i64} {
  func.func @_lookup(%arg0: i32, %arg1: i32, %arg2: memref<100000x128xf32, #tpu.memory_space<hbm>>, %arg3: memref<204800xi32, #tpu.memory_space<hbm>>, %arg4: memref<204800x128xf32, #tpu.memory_space<hbm>>, %arg5: memref<6400xi32, #tpu.memory_space<vmem>>, %arg6: memref<400x128xf32, #tpu.memory_space<vmem>>, %arg7: memref<400x128xf32, #tpu.memory_space<vmem>>, %arg8: memref<!tpu.dma_semaphore, #tpu.memory_space<semaphore_mem>>, %arg9: memref<!tpu.dma_semaphore, #tpu.memory_space<semaphore_mem>>) attributes {dimension_semantics = [#tpu.dimension_semantics<core_parallel>, #tpu.dimension_semantics<subcore_parallel>], iteration_bounds = array<i64: 2, 16>, scalar_prefetch = 0 : i64, scratch_operands = 5 : i64, tpu.core_type = #tpu.core_type<sc_vector_subcore>, window_params = [{transform_indices = #map}, {transform_indices = #map1}, {transform_indices = #map}]} {
    %mul3A = arith.constant 2 : i32
    %mul3A_0 = arith.muli %arg1, %mul3A : i32
    %add3A = arith.addi %mul3A_0, %arg0 : i32
    %mul3A_1 = arith.constant 6400 : i32
    %mul3A_2 = arith.muli %add3A, %mul3A_1 : i32
    "tpu.region"() ({
      %run_scoped3A = tpu.sem_alloc : memref<!tpu.dma_semaphore, #tpu.memory_space<semaphore_mem>>
      %dma_start3A_52 = arith.constant 0 : i32
      %dma_start3A_53 = tpu.memref_slice %arg5[%dma_start3A_52] : memref<6400xi32, #tpu.memory_space<vmem>> -> memref<800xi32, #tpu.memory_space<vmem>>
      %dma_start3A_54 = tpu.memref_slice %arg3[%mul3A_2] : memref<204800xi32, #tpu.memory_space<hbm>> -> memref<800xi32, #tpu.memory_space<hbm>>
      %dma_start3A_55 = arith.constant 0 : i32
      %dma_start3A_56 = tpu.memref_slice %arg5[%dma_start3A_55] : memref<6400xi32, #tpu.memory_space<vmem>> -> memref<800xi32, #tpu.memory_space<vmem>>
      %dma_start3A_57 = tpu.memref_slice %arg3[%mul3A_2] : memref<204800xi32, #tpu.memory_space<hbm>> -> memref<800xi32, #tpu.memory_space<hbm>>
      tpu.enqueue_dma source(%dma_start3A_57 : memref<800xi32, #tpu.memory_space<hbm>>) target(%dma_start3A_56 : memref<800xi32, #tpu.memory_space<vmem>>) target_semaphore(%run_scoped3A : memref<!tpu.dma_semaphore, #tpu.memory_space<semaphore_mem>>)
      %dma_wait3A_58 = arith.constant 0 : i32
      %dma_wait3A_59 = tpu.memref_slice %arg5[%dma_wait3A_58] : memref<6400xi32, #tpu.memory_space<vmem>> -> memref<800xi32, #tpu.memory_space<vmem>>
      %dma_wait3A_60 = tpu.memref_slice %arg3[%mul3A_2] : memref<204800xi32, #tpu.memory_space<hbm>> -> memref<800xi32, #tpu.memory_space<hbm>>
      %dma_wait3A_61 = arith.constant 0 : i32
      %dma_wait3A_62 = tpu.memref_slice %arg5[%dma_wait3A_61] : memref<6400xi32, #tpu.memory_space<vmem>> -> memref<800xi32, #tpu.memory_space<vmem>>
      %dma_wait3A_63 = tpu.memref_slice %arg3[%mul3A_2] : memref<204800xi32, #tpu.memory_space<hbm>> -> memref<800xi32, #tpu.memory_space<hbm>>
      tpu.wait_dma2 semaphore(%run_scoped3A : memref<!tpu.dma_semaphore, #tpu.memory_space<semaphore_mem>>) src(%dma_wait3A_63 : memref<800xi32, #tpu.memory_space<hbm>>) dst(%dma_wait3A_62 : memref<800xi32, #tpu.memory_space<vmem>>)
      tpu.yield
    }) : () -> ()
    %dma_start3A = arith.constant 0 : i32
    %dma_start3A_3 = arith.constant 0 : i32
    %dma_start3A_4 = tpu.memref_slice %arg6[%dma_start3A, %dma_start3A_3] : memref<400x128xf32, #tpu.memory_space<vmem>> -> memref<200x128xf32, #tpu.memory_space<vmem>>
    %dma_start3A_5 = arith.constant 0 : i32
    %dma_start3A_6 = tpu.memref_slice %arg5[%dma_start3A_5] : memref<6400xi32, #tpu.memory_space<vmem>> -> memref<200xi32, #tpu.memory_space<vmem>>
    %dma_start3A_7 = arith.constant 0 : i32
    %dma_start3A_8 = arith.constant 0 : i32
    %dma_start3A_9 = tpu.memref_slice %arg2[%dma_start3A_7, %dma_start3A_8] : memref<100000x128xf32, #tpu.memory_space<hbm>> -> memref<100000x128xf32, #tpu.memory_space<hbm>>
    tpu.enqueue_indirect_dma source(%dma_start3A_9 : memref<100000x128xf32, #tpu.memory_space<hbm>>) target(%dma_start3A_4 : memref<200x128xf32, #tpu.memory_space<vmem>>) offsets(%dma_start3A_6 : memref<200xi32, #tpu.memory_space<vmem>>) semaphore(%arg8 : memref<!tpu.dma_semaphore, #tpu.memory_space<semaphore_mem>>)
    %dma_start3A_10 = arith.constant 200 : i32
    %dma_start3A_11 = arith.constant 0 : i32
    %dma_start3A_12 = tpu.memref_slice %arg6[%dma_start3A_10, %dma_start3A_11] : memref<400x128xf32, #tpu.memory_space<vmem>> -> memref<200x128xf32, #tpu.memory_space<vmem>>
    %dma_start3A_13 = arith.constant 200 : i32
    %dma_start3A_14 = tpu.memref_slice %arg5[%dma_start3A_13] : memref<6400xi32, #tpu.memory_space<vmem>> -> memref<200xi32, #tpu.memory_space<vmem>>
    %dma_start3A_15 = arith.constant 0 : i32
    %dma_start3A_16 = arith.constant 0 : i32
    %dma_start3A_17 = tpu.memref_slice %arg2[%dma_start3A_15, %dma_start3A_16] : memref<100000x128xf32, #tpu.memory_space<hbm>> -> memref<100000x128xf32, #tpu.memory_space<hbm>>
    tpu.enqueue_indirect_dma source(%dma_start3A_17 : memref<100000x128xf32, #tpu.memory_space<hbm>>) target(%dma_start3A_12 : memref<200x128xf32, #tpu.memory_space<vmem>>) offsets(%dma_start3A_14 : memref<200xi32, #tpu.memory_space<vmem>>) semaphore(%arg8 : memref<!tpu.dma_semaphore, #tpu.memory_space<semaphore_mem>>)
    %dma_start3A_18 = arith.constant 0 : i32
    %dma_start3A_19 = arith.constant 0 : i32
    %dma_start3A_20 = tpu.memref_slice %arg7[%dma_start3A_18, %dma_start3A_19] : memref<400x128xf32, #tpu.memory_space<vmem>> -> memref<200x128xf32, #tpu.memory_space<vmem>>
    %dma_start3A_21 = arith.constant 400 : i32
    %dma_start3A_22 = tpu.memref_slice %arg5[%dma_start3A_21] : memref<6400xi32, #tpu.memory_space<vmem>> -> memref<200xi32, #tpu.memory_space<vmem>>
    %dma_start3A_23 = arith.constant 0 : i32
    %dma_start3A_24 = arith.constant 0 : i32
    %dma_start3A_25 = tpu.memref_slice %arg2[%dma_start3A_23, %dma_start3A_24] : memref<100000x128xf32, #tpu.memory_space<hbm>> -> memref<100000x128xf32, #tpu.memory_space<hbm>>
    tpu.enqueue_indirect_dma source(%dma_start3A_25 : memref<100000x128xf32, #tpu.memory_space<hbm>>) target(%dma_start3A_20 : memref<200x128xf32, #tpu.memory_space<vmem>>) offsets(%dma_start3A_22 : memref<200xi32, #tpu.memory_space<vmem>>) semaphore(%arg9 : memref<!tpu.dma_semaphore, #tpu.memory_space<semaphore_mem>>)
    %dma_start3A_26 = arith.constant 200 : i32
    %dma_start3A_27 = arith.constant 0 : i32
    %dma_start3A_28 = tpu.memref_slice %arg7[%dma_start3A_26, %dma_start3A_27] : memref<400x128xf32, #tpu.memory_space<vmem>> -> memref<200x128xf32, #tpu.memory_space<vmem>>
    %dma_start3A_29 = arith.constant 600 : i32
    %dma_start3A_30 = tpu.memref_slice %arg5[%dma_start3A_29] : memref<6400xi32, #tpu.memory_space<vmem>> -> memref<200xi32, #tpu.memory_space<vmem>>
    %dma_start3A_31 = arith.constant 0 : i32
    %dma_start3A_32 = arith.constant 0 : i32
    %dma_start3A_33 = tpu.memref_slice %arg2[%dma_start3A_31, %dma_start3A_32] : memref<100000x128xf32, #tpu.memory_space<hbm>> -> memref<100000x128xf32, #tpu.memory_space<hbm>>
    tpu.enqueue_indirect_dma source(%dma_start3A_33 : memref<100000x128xf32, #tpu.memory_space<hbm>>) target(%dma_start3A_28 : memref<200x128xf32, #tpu.memory_space<vmem>>) offsets(%dma_start3A_30 : memref<200xi32, #tpu.memory_space<vmem>>) semaphore(%arg9 : memref<!tpu.dma_semaphore, #tpu.memory_space<semaphore_mem>>)
    %add3A_34 = arith.constant 800 : i32
    %add3A_35 = arith.addi %mul3A_2, %add3A_34 : i32
    "tpu.region"() ({
      %run_scoped3A = tpu.sem_alloc : memref<!tpu.dma_semaphore, #tpu.memory_space<semaphore_mem>>
      %dma_start3A_52 = arith.constant 800 : i32
      %dma_start3A_53 = tpu.memref_slice %arg5[%dma_start3A_52] : memref<6400xi32, #tpu.memory_space<vmem>> -> memref<5600xi32, #tpu.memory_space<vmem>>
      %dma_start3A_54 = tpu.memref_slice %arg3[%add3A_35] : memref<204800xi32, #tpu.memory_space<hbm>> -> memref<5600xi32, #tpu.memory_space<hbm>>
      %dma_start3A_55 = arith.constant 800 : i32
      %dma_start3A_56 = tpu.memref_slice %arg5[%dma_start3A_55] : memref<6400xi32, #tpu.memory_space<vmem>> -> memref<5600xi32, #tpu.memory_space<vmem>>
      %dma_start3A_57 = tpu.memref_slice %arg3[%add3A_35] : memref<204800xi32, #tpu.memory_space<hbm>> -> memref<5600xi32, #tpu.memory_space<hbm>>
      tpu.enqueue_dma source(%dma_start3A_57 : memref<5600xi32, #tpu.memory_space<hbm>>) target(%dma_start3A_56 : memref<5600xi32, #tpu.memory_space<vmem>>) target_semaphore(%run_scoped3A : memref<!tpu.dma_semaphore, #tpu.memory_space<semaphore_mem>>)
      %dma_wait3A_58 = arith.constant 800 : i32
      %dma_wait3A_59 = tpu.memref_slice %arg5[%dma_wait3A_58] : memref<6400xi32, #tpu.memory_space<vmem>> -> memref<5600xi32, #tpu.memory_space<vmem>>
      %dma_wait3A_60 = tpu.memref_slice %arg3[%add3A_35] : memref<204800xi32, #tpu.memory_space<hbm>> -> memref<5600xi32, #tpu.memory_space<hbm>>
      %dma_wait3A_61 = arith.constant 800 : i32
      %dma_wait3A_62 = tpu.memref_slice %arg5[%dma_wait3A_61] : memref<6400xi32, #tpu.memory_space<vmem>> -> memref<5600xi32, #tpu.memory_space<vmem>>
      %dma_wait3A_63 = tpu.memref_slice %arg3[%add3A_35] : memref<204800xi32, #tpu.memory_space<hbm>> -> memref<5600xi32, #tpu.memory_space<hbm>>
      tpu.wait_dma2 semaphore(%run_scoped3A : memref<!tpu.dma_semaphore, #tpu.memory_space<semaphore_mem>>) src(%dma_wait3A_63 : memref<5600xi32, #tpu.memory_space<hbm>>) dst(%dma_wait3A_62 : memref<5600xi32, #tpu.memory_space<vmem>>)
      tpu.yield
    }) : () -> ()
    %scan3A = arith.constant 0 : i32
    %scan3A_36 = arith.constant 0 : i32
    %scan3A_37 = arith.constant 7 : i32
    %scan3A_38 = arith.addi %scan3A_36, %scan3A_37 : i32
    %scan3A_39 = arith.constant 1 : i32
    scf.for %scan3A_52 = %scan3A_36 to %scan3A_38 step %scan3A_39  : i32 {
      %mul3A_53 = arith.constant 2 : i32
      %mul3A_54 = arith.muli %mul3A_53, %scan3A_52 : i32
      %add3A_55 = arith.constant 0 : i32
      %add3A_56 = arith.addi %mul3A_54, %add3A_55 : i32
      %dma_wait3A_57 = arith.constant 0 : i32
      %dma_wait3A_58 = tpu.memref_slice %arg4[%mul3A_2, %dma_wait3A_57] : memref<204800x128xf32, #tpu.memory_space<hbm>> -> memref<400x128xf32, #tpu.memory_space<hbm>>
      %dma_wait3A_59 = arith.constant 0 : i32
      %dma_wait3A_60 = tpu.memref_slice %arg4[%mul3A_2, %dma_wait3A_59] : memref<204800x128xf32, #tpu.memory_space<hbm>> -> memref<400x128xf32, #tpu.memory_space<hbm>>
      tpu.wait_dma2 semaphore(%arg8 : memref<!tpu.dma_semaphore, #tpu.memory_space<semaphore_mem>>) src(%dma_wait3A_60 : memref<400x128xf32, #tpu.memory_space<hbm>>) dst(%arg6 : memref<400x128xf32, #tpu.memory_space<vmem>>)
      %mul3A_61 = arith.constant 400 : i32
      %mul3A_62 = arith.muli %add3A_56, %mul3A_61 : i32
      %add3A_63 = arith.addi %mul3A_2, %mul3A_62 : i32
      "tpu.region"() ({
        %run_scoped3A = tpu.sem_alloc : memref<!tpu.dma_semaphore, #tpu.memory_space<semaphore_mem>>
        %dma_start3A_121 = arith.constant 0 : i32
        %dma_start3A_122 = tpu.memref_slice %arg4[%add3A_63, %dma_start3A_121] : memref<204800x128xf32, #tpu.memory_space<hbm>> -> memref<400x128xf32, #tpu.memory_space<hbm>>
        %dma_start3A_123 = arith.constant 0 : i32
        %dma_start3A_124 = tpu.memref_slice %arg4[%add3A_63, %dma_start3A_123] : memref<204800x128xf32, #tpu.memory_space<hbm>> -> memref<400x128xf32, #tpu.memory_space<hbm>>
        tpu.enqueue_dma source(%arg6 : memref<400x128xf32, #tpu.memory_space<vmem>>) target(%dma_start3A_124 : memref<400x128xf32, #tpu.memory_space<hbm>>) target_semaphore(%run_scoped3A : memref<!tpu.dma_semaphore, #tpu.memory_space<semaphore_mem>>)
        %dma_wait3A_125 = arith.constant 0 : i32
        %dma_wait3A_126 = tpu.memref_slice %arg4[%add3A_63, %dma_wait3A_125] : memref<204800x128xf32, #tpu.memory_space<hbm>> -> memref<400x128xf32, #tpu.memory_space<hbm>>
        %dma_wait3A_127 = arith.constant 0 : i32
        %dma_wait3A_128 = tpu.memref_slice %arg4[%add3A_63, %dma_wait3A_127] : memref<204800x128xf32, #tpu.memory_space<hbm>> -> memref<400x128xf32, #tpu.memory_space<hbm>>
        tpu.wait_dma2 semaphore(%run_scoped3A : memref<!tpu.dma_semaphore, #tpu.memory_space<semaphore_mem>>) src(%arg6 : memref<400x128xf32, #tpu.memory_space<vmem>>) dst(%dma_wait3A_128 : memref<400x128xf32, #tpu.memory_space<hbm>>)
        tpu.yield
      }) : () -> ()
      %add3A_64 = arith.constant 0 : i32
      %add3A_65 = arith.addi %mul3A_54, %add3A_64 : i32
      %add3A_66 = arith.constant 2 : i32
      %add3A_67 = arith.addi %add3A_65, %add3A_66 : i32
      %mul3A_68 = arith.constant 400 : i32
      %mul3A_69 = arith.muli %add3A_67, %mul3A_68 : i32
      %dma_start3A_70 = arith.constant 0 : i32
      %dma_start3A_71 = arith.constant 0 : i32
      %dma_start3A_72 = tpu.memref_slice %arg6[%dma_start3A_70, %dma_start3A_71] : memref<400x128xf32, #tpu.memory_space<vmem>> -> memref<200x128xf32, #tpu.memory_space<vmem>>
      %dma_start3A_73 = tpu.memref_slice %arg5[%mul3A_69] : memref<6400xi32, #tpu.memory_space<vmem>> -> memref<200xi32, #tpu.memory_space<vmem>>
      %dma_start3A_74 = arith.constant 0 : i32
      %dma_start3A_75 = arith.constant 0 : i32
      %dma_start3A_76 = tpu.memref_slice %arg2[%dma_start3A_74, %dma_start3A_75] : memref<100000x128xf32, #tpu.memory_space<hbm>> -> memref<100000x128xf32, #tpu.memory_space<hbm>>
      tpu.enqueue_indirect_dma source(%dma_start3A_76 : memref<100000x128xf32, #tpu.memory_space<hbm>>) target(%dma_start3A_72 : memref<200x128xf32, #tpu.memory_space<vmem>>) offsets(%dma_start3A_73 : memref<200xi32, #tpu.memory_space<vmem>>) semaphore(%arg8 : memref<!tpu.dma_semaphore, #tpu.memory_space<semaphore_mem>>)
      %mul3A_77 = arith.constant 400 : i32
      %mul3A_78 = arith.muli %add3A_67, %mul3A_77 : i32
      %add3A_79 = arith.constant 200 : i32
      %add3A_80 = arith.addi %mul3A_78, %add3A_79 : i32
      %dma_start3A_81 = arith.constant 200 : i32
      %dma_start3A_82 = arith.constant 0 : i32
      %dma_start3A_83 = tpu.memref_slice %arg6[%dma_start3A_81, %dma_start3A_82] : memref<400x128xf32, #tpu.memory_space<vmem>> -> memref<200x128xf32, #tpu.memory_space<vmem>>
      %dma_start3A_84 = tpu.memref_slice %arg5[%add3A_80] : memref<6400xi32, #tpu.memory_space<vmem>> -> memref<200xi32, #tpu.memory_space<vmem>>
      %dma_start3A_85 = arith.constant 0 : i32
      %dma_start3A_86 = arith.constant 0 : i32
      %dma_start3A_87 = tpu.memref_slice %arg2[%dma_start3A_85, %dma_start3A_86] : memref<100000x128xf32, #tpu.memory_space<hbm>> -> memref<100000x128xf32, #tpu.memory_space<hbm>>
      tpu.enqueue_indirect_dma source(%dma_start3A_87 : memref<100000x128xf32, #tpu.memory_space<hbm>>) target(%dma_start3A_83 : memref<200x128xf32, #tpu.memory_space<vmem>>) offsets(%dma_start3A_84 : memref<200xi32, #tpu.memory_space<vmem>>) semaphore(%arg8 : memref<!tpu.dma_semaphore, #tpu.memory_space<semaphore_mem>>)
      %add3A_88 = arith.constant 1 : i32
      %add3A_89 = arith.addi %mul3A_54, %add3A_88 : i32
      %dma_wait3A_90 = arith.constant 0 : i32
      %dma_wait3A_91 = tpu.memref_slice %arg4[%mul3A_2, %dma_wait3A_90] : memref<204800x128xf32, #tpu.memory_space<hbm>> -> memref<400x128xf32, #tpu.memory_space<hbm>>
      %dma_wait3A_92 = arith.constant 0 : i32
      %dma_wait3A_93 = tpu.memref_slice %arg4[%mul3A_2, %dma_wait3A_92] : memref<204800x128xf32, #tpu.memory_space<hbm>> -> memref<400x128xf32, #tpu.memory_space<hbm>>
      tpu.wait_dma2 semaphore(%arg9 : memref<!tpu.dma_semaphore, #tpu.memory_space<semaphore_mem>>) src(%dma_wait3A_93 : memref<400x128xf32, #tpu.memory_space<hbm>>) dst(%arg7 : memref<400x128xf32, #tpu.memory_space<vmem>>)
      %mul3A_94 = arith.constant 400 : i32
      %mul3A_95 = arith.muli %add3A_89, %mul3A_94 : i32
      %add3A_96 = arith.addi %mul3A_2, %mul3A_95 : i32
      "tpu.region"() ({
        %run_scoped3A = tpu.sem_alloc : memref<!tpu.dma_semaphore, #tpu.memory_space<semaphore_mem>>
        %dma_start3A_121 = arith.constant 0 : i32
        %dma_start3A_122 = tpu.memref_slice %arg4[%add3A_96, %dma_start3A_121] : memref<204800x128xf32, #tpu.memory_space<hbm>> -> memref<400x128xf32, #tpu.memory_space<hbm>>
        %dma_start3A_123 = arith.constant 0 : i32
        %dma_start3A_124 = tpu.memref_slice %arg4[%add3A_96, %dma_start3A_123] : memref<204800x128xf32, #tpu.memory_space<hbm>> -> memref<400x128xf32, #tpu.memory_space<hbm>>
        tpu.enqueue_dma source(%arg7 : memref<400x128xf32, #tpu.memory_space<vmem>>) target(%dma_start3A_124 : memref<400x128xf32, #tpu.memory_space<hbm>>) target_semaphore(%run_scoped3A : memref<!tpu.dma_semaphore, #tpu.memory_space<semaphore_mem>>)
        %dma_wait3A_125 = arith.constant 0 : i32
        %dma_wait3A_126 = tpu.memref_slice %arg4[%add3A_96, %dma_wait3A_125] : memref<204800x128xf32, #tpu.memory_space<hbm>> -> memref<400x128xf32, #tpu.memory_space<hbm>>
        %dma_wait3A_127 = arith.constant 0 : i32
        %dma_wait3A_128 = tpu.memref_slice %arg4[%add3A_96, %dma_wait3A_127] : memref<204800x128xf32, #tpu.memory_space<hbm>> -> memref<400x128xf32, #tpu.memory_space<hbm>>
        tpu.wait_dma2 semaphore(%run_scoped3A : memref<!tpu.dma_semaphore, #tpu.memory_space<semaphore_mem>>) src(%arg7 : memref<400x128xf32, #tpu.memory_space<vmem>>) dst(%dma_wait3A_128 : memref<400x128xf32, #tpu.memory_space<hbm>>)
        tpu.yield
      }) : () -> ()
      %add3A_97 = arith.constant 1 : i32
      %add3A_98 = arith.addi %mul3A_54, %add3A_97 : i32
      %add3A_99 = arith.constant 2 : i32
      %add3A_100 = arith.addi %add3A_98, %add3A_99 : i32
      %mul3A_101 = arith.constant 400 : i32
      %mul3A_102 = arith.muli %add3A_100, %mul3A_101 : i32
      %dma_start3A_103 = arith.constant 0 : i32
      %dma_start3A_104 = arith.constant 0 : i32
      %dma_start3A_105 = tpu.memref_slice %arg7[%dma_start3A_103, %dma_start3A_104] : memref<400x128xf32, #tpu.memory_space<vmem>> -> memref<200x128xf32, #tpu.memory_space<vmem>>
      %dma_start3A_106 = tpu.memref_slice %arg5[%mul3A_102] : memref<6400xi32, #tpu.memory_space<vmem>> -> memref<200xi32, #tpu.memory_space<vmem>>
      %dma_start3A_107 = arith.constant 0 : i32
      %dma_start3A_108 = arith.constant 0 : i32
      %dma_start3A_109 = tpu.memref_slice %arg2[%dma_start3A_107, %dma_start3A_108] : memref<100000x128xf32, #tpu.memory_space<hbm>> -> memref<100000x128xf32, #tpu.memory_space<hbm>>
      tpu.enqueue_indirect_dma source(%dma_start3A_109 : memref<100000x128xf32, #tpu.memory_space<hbm>>) target(%dma_start3A_105 : memref<200x128xf32, #tpu.memory_space<vmem>>) offsets(%dma_start3A_106 : memref<200xi32, #tpu.memory_space<vmem>>) semaphore(%arg9 : memref<!tpu.dma_semaphore, #tpu.memory_space<semaphore_mem>>)
      %mul3A_110 = arith.constant 400 : i32
      %mul3A_111 = arith.muli %add3A_100, %mul3A_110 : i32
      %add3A_112 = arith.constant 200 : i32
      %add3A_113 = arith.addi %mul3A_111, %add3A_112 : i32
      %dma_start3A_114 = arith.constant 200 : i32
      %dma_start3A_115 = arith.constant 0 : i32
      %dma_start3A_116 = tpu.memref_slice %arg7[%dma_start3A_114, %dma_start3A_115] : memref<400x128xf32, #tpu.memory_space<vmem>> -> memref<200x128xf32, #tpu.memory_space<vmem>>
      %dma_start3A_117 = tpu.memref_slice %arg5[%add3A_113] : memref<6400xi32, #tpu.memory_space<vmem>> -> memref<200xi32, #tpu.memory_space<vmem>>
      %dma_start3A_118 = arith.constant 0 : i32
      %dma_start3A_119 = arith.constant 0 : i32
      %dma_start3A_120 = tpu.memref_slice %arg2[%dma_start3A_118, %dma_start3A_119] : memref<100000x128xf32, #tpu.memory_space<hbm>> -> memref<100000x128xf32, #tpu.memory_space<hbm>>
      tpu.enqueue_indirect_dma source(%dma_start3A_120 : memref<100000x128xf32, #tpu.memory_space<hbm>>) target(%dma_start3A_116 : memref<200x128xf32, #tpu.memory_space<vmem>>) offsets(%dma_start3A_117 : memref<200xi32, #tpu.memory_space<vmem>>) semaphore(%arg9 : memref<!tpu.dma_semaphore, #tpu.memory_space<semaphore_mem>>)
    }
    %scan3A_40 = arith.constant 7 : i32
    %dma_wait3A = arith.constant 0 : i32
    %dma_wait3A_41 = tpu.memref_slice %arg4[%mul3A_2, %dma_wait3A] : memref<204800x128xf32, #tpu.memory_space<hbm>> -> memref<400x128xf32, #tpu.memory_space<hbm>>
    %dma_wait3A_42 = arith.constant 0 : i32
    %dma_wait3A_43 = tpu.memref_slice %arg4[%mul3A_2, %dma_wait3A_42] : memref<204800x128xf32, #tpu.memory_space<hbm>> -> memref<400x128xf32, #tpu.memory_space<hbm>>
    tpu.wait_dma2 semaphore(%arg8 : memref<!tpu.dma_semaphore, #tpu.memory_space<semaphore_mem>>) src(%dma_wait3A_43 : memref<400x128xf32, #tpu.memory_space<hbm>>) dst(%arg6 : memref<400x128xf32, #tpu.memory_space<vmem>>)
    %add3A_44 = arith.constant 5600 : i32
    %add3A_45 = arith.addi %mul3A_2, %add3A_44 : i32
    "tpu.region"() ({
      %run_scoped3A = tpu.sem_alloc : memref<!tpu.dma_semaphore, #tpu.memory_space<semaphore_mem>>
      %dma_start3A_52 = arith.constant 0 : i32
      %dma_start3A_53 = tpu.memref_slice %arg4[%add3A_45, %dma_start3A_52] : memref<204800x128xf32, #tpu.memory_space<hbm>> -> memref<400x128xf32, #tpu.memory_space<hbm>>
      %dma_start3A_54 = arith.constant 0 : i32
      %dma_start3A_55 = tpu.memref_slice %arg4[%add3A_45, %dma_start3A_54] : memref<204800x128xf32, #tpu.memory_space<hbm>> -> memref<400x128xf32, #tpu.memory_space<hbm>>
      tpu.enqueue_dma source(%arg6 : memref<400x128xf32, #tpu.memory_space<vmem>>) target(%dma_start3A_55 : memref<400x128xf32, #tpu.memory_space<hbm>>) target_semaphore(%run_scoped3A : memref<!tpu.dma_semaphore, #tpu.memory_space<semaphore_mem>>)
      %dma_wait3A_56 = arith.constant 0 : i32
      %dma_wait3A_57 = tpu.memref_slice %arg4[%add3A_45, %dma_wait3A_56] : memref<204800x128xf32, #tpu.memory_space<hbm>> -> memref<400x128xf32, #tpu.memory_space<hbm>>
      %dma_wait3A_58 = arith.constant 0 : i32
      %dma_wait3A_59 = tpu.memref_slice %arg4[%add3A_45, %dma_wait3A_58] : memref<204800x128xf32, #tpu.memory_space<hbm>> -> memref<400x128xf32, #tpu.memory_space<hbm>>
      tpu.wait_dma2 semaphore(%run_scoped3A : memref<!tpu.dma_semaphore, #tpu.memory_space<semaphore_mem>>) src(%arg6 : memref<400x128xf32, #tpu.memory_space<vmem>>) dst(%dma_wait3A_59 : memref<400x128xf32, #tpu.memory_space<hbm>>)
      tpu.yield
    }) : () -> ()
    %dma_wait3A_46 = arith.constant 0 : i32
    %dma_wait3A_47 = tpu.memref_slice %arg4[%mul3A_2, %dma_wait3A_46] : memref<204800x128xf32, #tpu.memory_space<hbm>> -> memref<400x128xf32, #tpu.memory_space<hbm>>
    %dma_wait3A_48 = arith.constant 0 : i32
    %dma_wait3A_49 = tpu.memref_slice %arg4[%mul3A_2, %dma_wait3A_48] : memref<204800x128xf32, #tpu.memory_space<hbm>> -> memref<400x128xf32, #tpu.memory_space<hbm>>
    tpu.wait_dma2 semaphore(%arg9 : memref<!tpu.dma_semaphore, #tpu.memory_space<semaphore_mem>>) src(%dma_wait3A_49 : memref<400x128xf32, #tpu.memory_space<hbm>>) dst(%arg7 : memref<400x128xf32, #tpu.memory_space<vmem>>)
    %add3A_50 = arith.constant 6000 : i32
    %add3A_51 = arith.addi %mul3A_2, %add3A_50 : i32
    "tpu.region"() ({
      %run_scoped3A = tpu.sem_alloc : memref<!tpu.dma_semaphore, #tpu.memory_space<semaphore_mem>>
      %dma_start3A_52 = arith.constant 0 : i32
      %dma_start3A_53 = tpu.memref_slice %arg4[%add3A_51, %dma_start3A_52] : memref<204800x128xf32, #tpu.memory_space<hbm>> -> memref<400x128xf32, #tpu.memory_space<hbm>>
      %dma_start3A_54 = arith.constant 0 : i32
      %dma_start3A_55 = tpu.memref_slice %arg4[%add3A_51, %dma_start3A_54] : memref<204800x128xf32, #tpu.memory_space<hbm>> -> memref<400x128xf32, #tpu.memory_space<hbm>>
      tpu.enqueue_dma source(%arg7 : memref<400x128xf32, #tpu.memory_space<vmem>>) target(%dma_start3A_55 : memref<400x128xf32, #tpu.memory_space<hbm>>) target_semaphore(%run_scoped3A : memref<!tpu.dma_semaphore, #tpu.memory_space<semaphore_mem>>)
      %dma_wait3A_56 = arith.constant 0 : i32
      %dma_wait3A_57 = tpu.memref_slice %arg4[%add3A_51, %dma_wait3A_56] : memref<204800x128xf32, #tpu.memory_space<hbm>> -> memref<400x128xf32, #tpu.memory_space<hbm>>
      %dma_wait3A_58 = arith.constant 0 : i32
      %dma_wait3A_59 = tpu.memref_slice %arg4[%add3A_51, %dma_wait3A_58] : memref<204800x128xf32, #tpu.memory_space<hbm>> -> memref<400x128xf32, #tpu.memory_space<hbm>>
      tpu.wait_dma2 semaphore(%run_scoped3A : memref<!tpu.dma_semaphore, #tpu.memory_space<semaphore_mem>>) src(%arg7 : memref<400x128xf32, #tpu.memory_space<vmem>>) dst(%dma_wait3A_59 : memref<400x128xf32, #tpu.memory_space<hbm>>)
      tpu.yield
    }) : () -> ()
    return
  }
}

</mosaic_0001>

<sc_bundles>
// kernel: kernel.3.cloned.1.call-start
scs
__scs_entry_jumppad:
0x0: {  	(pc) =	sbr.rel $0x88, $3  }
0x1: {  	(tag) =	ssettag $0x0;
	lr =	simm.s32 $0x1  }
0x2: {  	[smem:$0x3F9F] =	sst lr;
	_ =	strace $0xD0000000  }
0x3: {  	_ = 	snop  }
0x4: {  	_ = 	snop  }
0x5: {  	_ = 	snop  }
0x6: {  	_ = 	snop  }
0x7: {  	_ = 	snop  }
__scs_overlays_trampoline_lowered:
0x8: {  	[smem:$0x3FAE] =	sst s0  }
0x9: {  	[smem:$0x3FAF] =	sst s1  }
0xa: {  	[smem:$0x3FB0] =	sst s2  }
0xb: {  	[smem:$0x3FB1] =	sst s3  }
0xc: {  	[smem:$0x3FB2] =	sst s4  }
0xd: {  	[smem:$0x3FB3] =	sst s5  }
0xe: {  	[smem:$0x3FB4] =	sst s6  }
0xf: {  	[smem:$0x3FB5] =	sst s7  }
0x10: {  	[smem:$0x3FB6] =	sst s8  }
0x11: {  	[smem:$0x3FB7] =	sst s9;
	s0 =	simm.s32 @!p0 $0x0  }
0x12: {  	s1 =	sld [smem:$0x3F9D];
	s0 =	simm.s32 @p0 $0x1  }
0x13: {  	[smem:$0x3FB8] =	sst s0;
	s0 =	simm.s32 @!p1 $0x0  }
0x14: {  	s2 =	sld [smem:$0x3F9C];
	s0 =	simm.s32 @p1 $0x1  }
0x15: {  	[smem:$0x3FB9] =	sst s0;
	s0 =	simm.s32 @!p2 $0x0  }
0x16: {  	s3 =	sld [smem:$0x3FDB];
	s0 =	simm.s32 @p2 $0x1  }
0x17: {  	s4 =	simm.s32 $0x1BF5;
	[smem:$0x3FBB] =	sst s0  }
0x18: {  	s0 =	sld [smem:$0x3F9E];
	_ =	swait.ge [sflag:s4], $0x0  }
0x19: {  	s7 =	sld [smem:$0x3F9F]  }
0x1a: {  	s8 =	sadd.s32 $0xFFFFE003, lr  }
0x1b: {  	s9 =	sadd.s32 $0xFFFFFEF7, lr;
	s5 =	simm.s32 $0xFFFFFFFF;
	p2 =	slt.u32 s8, $0xFFFFF086  }
0x1c: {  	p1 =	slt.u32 s9, $0xF7A;
	s5 =	simm.s32 @!p2 $0x0  }
0x1d: {  	s5 =	simm.s32 @p1 $0x1;
	p0 =	seq.s32 s7, s2  }
0x1e: {  	s7 =	smul.u32 @!p0 $0xF7A, s2;
	p2 =	seq.s32 @!p0 s5, $0x0  }
0x1f: {  	s9 =	smul.u32 $0xF7A, s1;
	s8 =	simm.s32 @!p0 $0x1BF5;
	p2 =	por !p2, p0  }
0x20: {  	[sflag:s8] =	ssyncset.s32 @!p0 $0xFFFFF086;
	s6 =	sadd.s32 @!p0 s3, s7;
	s7 =	simm.s32 @!p0 $0x108  }
0x21: {  	s3 =	sadd.s32 s3, s9;
	s6 =	sadd.s32 @!p0 $0x88, s6;
	s7 =	simm.s32 @p2 $0x1082  }
0x22: {  	[simem:s7], [sflag:s8] =	dma.local @!p0 [hbm:s6], $0xF7A  }
0x23: {  	s9 =	sor.u32 $0xD0000000, s2;
	s6 =	simm.s32 $0x108;
	_ =	swait.ge @!p0 [sflag:s8], $0x0  }
0x24: {  	s3 =	sadd.s32 $0x88, s3;
	s6 =	simm.s32 @!p1 $0x1082;
	[sflag:s4] =	ssyncset.s32 $0xFFFFF086  }
0x25: {  	[simem:s6], [sflag:s4] =	dma.local [hbm:s3], $0xF7A  }
0x26: {  	[smem:$0x3F9F] =	sst s1;
	(tag) =	ssettag s2;
	_ =	strace s9  }
0x27: {  	s1 =	sld [smem:$0x3FAF]  }
0x28: {  	s2 =	sld [smem:$0x3FB0]  }
0x29: {  	s4 =	sld [smem:$0x3FB2]  }
0x2a: {  	p0 =	seq.s32 s5, $0x0;
	s5 =	sld [smem:$0x3FB3]  }
0x2b: {  	s6 =	sld [smem:$0x3FB4]  }
0x2c: {  	s7 =	sld [smem:$0x3FB5]  }
0x2d: {  	s3 =	simm.s32 $0x108;
	s8 =	sld [smem:$0x3FB6]  }
0x2e: {  	s3 =	simm.s32 @!p0 $0x1082;
	s9 =	sld [smem:$0x3FB7]  }
0x2f: {  	lr =	sadd.s32 s0, s3;
	s0 =	sld [smem:$0x3FAE]  }
0x30: {  	s3 =	sld [smem:$0x3FB1]  }
0x31: {  	[smem:$0x3FBA] =	sst s10  }
0x32: {  	s10 =	sld [smem:$0x3FB8];
	_ =	sdelay $0x3  }
0x33: {  	p0 =	seq.s32 s10, $0x1;
	s10 =	sld [smem:$0x3FBA];
	_ =	sdelay $0x3  }
0x34: {  	[smem:$0x3FBA] =	sst s10  }
0x35: {  	s10 =	sld [smem:$0x3FB9];
	_ =	sdelay $0x3  }
0x36: {  	p1 =	seq.s32 s10, $0x1;
	s10 =	sld [smem:$0x3FBA];
	_ =	sdelay $0x3  }
0x37: {  	[smem:$0x3FBA] =	sst s10  }
0x38: {  	s10 =	sld [smem:$0x3FBB]  }
0x39: {  	_ = 	snop;
	(pc) =	sbr.ind lr, $3  }
0x3a: {  	_ = 	snop  }
0x3b: {  	_ = 	snop  }
0x3c: {  	p2 =	seq.s32 s10, $0x1;
	s10 =	sld [smem:$0x3FBA]  }
0x3d: {  	_ =	shalt  }
0x3e: {  	_ =	shalt  }
0x3f: {  	_ =	shalt  }
0x40: {  	_ =	shalt  }
0x41: {  	_ =	shalt  }
0x42: {  	_ =	shalt  }
0x43: {  	_ =	shalt  }
0x44: {  	_ =	shalt  }
0x45: {  	_ =	shalt  }
0x46: {  	_ =	shalt  }
0x47: {  	_ =	shalt  }
0x48: {  	_ =	shalt  }
0x49: {  	_ =	shalt  }
0x4a: {  	_ =	shalt  }
0x4b: {  	_ =	shalt  }
0x4c: {  	_ =	shalt  }
0x4d: {  	_ =	shalt  }
0x4e: {  	_ =	shalt  }
0x4f: {  	_ =	shalt  }
0x50: {  	_ =	shalt  }
0x51: {  	_ =	shalt  }
0x52: {  	_ =	shalt  }
0x53: {  	_ =	shalt  }
0x54: {  	_ =	shalt  }
0x55: {  	_ =	shalt  }
0x56: {  	_ =	shalt  }
0x57: {  	_ =	shalt  }
0x58: {  	_ =	shalt  }
0x59: {  	_ =	shalt  }
0x5a: {  	_ =	shalt  }
0x5b: {  	_ =	shalt  }
0x5c: {  	_ =	shalt  }
0x5d: {  	_ =	shalt  }
0x5e: {  	_ =	shalt  }
0x5f: {  	_ =	shalt  }
0x60: {  	_ =	shalt  }
0x61: {  	_ =	shalt  }
0x62: {  	_ =	shalt  }
0x63: {  	_ =	shalt  }
0x64: {  	_ =	shalt  }
0x65: {  	_ =	shalt  }
0x66: {  	_ =	shalt  }
0x67: {  	_ =	shalt  }
0x68: {  	_ =	shalt  }
0x69: {  	_ =	shalt  }
0x6a: {  	_ =	shalt  }
0x6b: {  	_ =	shalt  }
0x6c: {  	_ =	shalt  }
0x6d: {  	_ =	shalt  }
0x6e: {  	_ =	shalt  }
0x6f: {  	_ =	shalt  }
0x70: {  	_ =	shalt  }
0x71: {  	_ =	shalt  }
0x72: {  	_ =	shalt  }
0x73: {  	_ =	shalt  }
0x74: {  	_ =	shalt  }
0x75: {  	_ =	shalt  }
0x76: {  	_ =	shalt  }
0x77: {  	_ =	shalt  }
0x78: {  	_ =	shalt  }
0x79: {  	_ =	shalt  }
0x7a: {  	_ =	shalt  }
0x7b: {  	_ =	shalt  }
0x7c: {  	_ =	shalt  }
0x7d: {  	_ =	shalt  }
0x7e: {  	_ =	shalt  }
0x7f: {  	_ =	shalt  }
0x80: {  	_ =	shalt  }
0x81: {  	_ =	shalt  }
0x82: {  	_ =	shalt  }
0x83: {  	_ =	shalt  }
0x84: {  	_ =	shalt  }
0x85: {  	_ =	shalt  }
0x86: {  	_ =	shalt  }
0x87: {  	_ =	shalt  }
.Lfunc_end0:
.L_simem_size_0:
called_computation_lowered:
.L_overlay_start_0:
0x88: {  	s2 =	sld [smem:$0x3FD9]  }
0x89: {  	s3 =	sld [smem:$0x3FFE];
	_ =	sdelay $0x1  }
0x8a: {  	s1 =	srdreg.scid  }
0x8b: {  	s0 =	sand.u32 $0x1, s1  }
0x8c: {  	s17 =	sshll.u32 s0, $0xA;
	s2 =	sadd.s32 s3, s2  }
0x8d: {  	s2 =	sadd.s32 s2, s17  }
0x8e: {  	[smem:$0x3FC6] =	sst s2  }
0x8f: {  	_ = 	snop  }
0x90: {  	s2 =	sld [smem:$0x3FC8]  }
0x91: {  	s18 =	sld [smem:$0x3FD0];
	(tm) =	ssettm $0x1  }
0x92: {  	s4 =	sld [smem:$0x3FFB];
	_ =	sdelay $0x3  }
0x93: {  	_ =	strace s4  }
0x94: {  	s4 =	sld [smem:$0x3FFC];
	_ =	sdelay $0x3  }
0x95: {  	_ =	strace s4  }
0x96: {  	s4 =	sld [smem:$0x3FFD];
	_ =	sdelay $0x3  }
0x97: {  	_ =	strace s4  }
0x98: {  	_ =	strace $0x8FFFFFFF  }
0x99: {  	s19 =	sld [smem:$0x3FDB];
	_ =	sdelay $0x1  }
0x9a: {  	s5 =	simm.s32 $_scs_section_size  }
0x9b: {  	s6 =	simm.s32 $_size__tile_overlayer_lowered;
	s7 =	simm.s32 $_tile_overlayer_lowered  }
0x9c: {  	s22 =	simm.s32 $0x1BFF;
	s21 =	sshll.u32 s7, $0x1;
	s4 =	sadd.s32 s5, s19  }
0x9d: {  	s8 =	simm.s32 $0x0;
	s20 =	sshll.u32 s6, $0x1;
	s6 =	sadd.s32 s21, s4  }
0x9e: {  	[timem:s8], [sflag:s22] =	dma.local [hbm:s6], s20  }
0x9f: {  	_ =	swait.ge [sflag:s22], s20  }
0xa0: {  	s5 =	ssub.s32 $0x0, s20;
	[sflag:s22] =	ssyncset.done $0x0  }
0xa1: {  	[sflag:s22] =	ssyncadd.s32 s5;
	_ =	sdelay $0x1  }
0xa2: {  	s23 =	simm.s32 $0x1B8B  }
0xa3: {  	_ =	swait.ge [sflag:s23], $0x1  }
0xa4: {  	[sflag:s23] =	ssyncset.done $0x0  }
0xa5: {  	s25 =	simm.s32 $0x1B8E;
	s24 =	sld [smem:$0x3FFE];
	[sflag:s23] =	ssyncadd.s32 $0xFFFFFFFF  }
0xa6: {  	s26 =	simm.s32 $execute0_lowered;
	[smem:$0x3FD2] =	sst s25  }
0xa7: {  	s6 =	sshll.u32 s26, $0x1;
	_ =	strace $0x80000046;
	[dreg:$0x1] =	wrdreg $0xFFFFFFFF  }
0xa8: {  	s28 =	simm.s32 $_size_execute0_lowered;
	s4 =	sadd.s32 s4, s6;
	[dreg:$0x0] =	wrdreg $0x0  }
0xa9: {  	s6 =	sshll.u32 s28, $0x1;
	[dreg:$0x2] =	wrdreg s4  }
0xaa: {  	[dreg:$0x3] =	wrdreg s6  }
0xab: {  	[dreg:$0x4] =	wrdreg $0xC0  }
0xac: {  	_ =	task [dreg:s8], $0x5FFFF  }
0xad: {  	[dreg:$0x1] =	wrdreg $0xFFFFFFFF  }
0xae: {  	[dreg:$0x0] =	wrdreg $0x60  }
0xaf: {  	[dreg:$0x2] =	wrdreg s2  }
0xb0: {  	[dreg:$0x3] =	wrdreg s24  }
0xb1: {  	[dreg:$0x4] =	wrdreg s18  }
0xb2: {  	[dreg:$0x5] =	wrdreg $0x9  }
0xb3: {  	_ =	task.clear_ibuf [dreg:s8], $0x6FFFF;
	_ =	strace $0x90000046  }
0xb4: {  	s29 =	simm.s32 $0x9;
	_ =	strace $0x80000048  }
0xb5: {  	_ =	swait.ge [sflag:s29], $0x1  }
0xb6: {  	[sflag:s29] =	ssyncadd.s32 $0xFFFFFFFF  }
0xb7: {  	_ =	strace $0x90000048  }
0xb8: {  	_ =	sfence  }
0xb9: {  	s30 =	sld [smem:$0x0];
	_ =	sdelay $0x2  }
0xba: {  	s31 =	sshll.u32 s1, $0xD;
	s1 =	sshrl.u32 s1, $0x2  }
0xbb: {  	s3 =	sand.u32 $0x4000, s31;
	s1 =	sadd.s32 s1, s30  }
0xbc: {  	s0 =	sor.u32 s3, s0;
	s1 =	sshll.u32 s1, $0x11  }
0xbd: {  	s0 =	sor.u32 s1, s0  }
0xbe: {  	s0 =	sadd.s32 $0x8F2B, s0  }
0xbf: {  	[sflag:s0] =	ssyncadd.remote.s32 $0x1  }
0xc0: {  	_ =	sfence.sel $0xFFFF  }
0xc1: {  	[dreg:$0x0] =	wrdreg $0xFFFFFFFF;
	(pc) =	sbr.abs _section_cstart, $3  }
0xc2: {  	[dreg:$0x1] =	wrdreg $0xFFFFFFFF  }
0xc3: {  	_ =	task.clear_ibuf [dreg:s8], $0x2FFFF;
	_ =	strace $0x9FFFFFFF  }
0xc4: {  	(tm) =	ssettm $0x7FFFFFFF  }
0xc5: {  	_ =	shalt  }
tec
execute0_lowered:
.L_overlay_start_1:
0x0: {  	(tag) =	ssettag $0x1  }
0x1: {  	s1 =	rddreg [dreg:$0x0]  }
0x2: {  	s4 =	rddreg [dreg:$0x1]  }
0x3: {  	s2 =	srdreg.scid;
	s0 =	stileid.u32  }
0x4: {  	s5 =	rddreg [dreg:$0x2];
	s3 =	simm.s32 $0x0;
	s12 =	simm.s32 $0x1900  }
0x5: {  	s13 =	simm.s32 $0x7D00;
	s14 =	simm.s32 $0x190;
	s15 =	simm.s32 $0xE100  }
0x6: {  	s16 =	simm.s32 $0x258;
	s17 =	simm.s32 $0x14500;
	s18 =	simm.s32 $0x320  }
0x7: {  	s19 =	simm.s32 $0x1;
	s20 =	simm.s32 $0x2;
	s21 =	simm.s32 $0x0  }
0x8: {  	s6 =	sand.u32 $0x1, s2;
	s7 =	sshll.u32 s0, $0x1;
	s10 =	smul.u32 $0x32000, s0  }
0x9: {  	s2 =	rddreg [dreg:$0x3];
	s7 =	sor.u32 s6, s7;
	s11 =	smul.u32 $0x19000, s6  }
0xa: {  	[smem:$0x7FF] =	sst s3;
	s9 =	ssub.s32 $0x2, s6;
	s8 =	smul.u32 $0x1900, s7  }
0xb: {  	_ =	strace $0x80000047;
	s7 =	smul.u32 $0xC8000, s7;
	s31 =	sshrl.u32 s9, $0x1  }
0xc: {  	s10 =	sadd.s32 s10, s5;
	s9 =	ssub.s32 s9, s31;
	s8 =	sshrl.u32 s8, $0x3  }
0xd: {  	s10 =	sadd.s32 s11, s10;
	s7 =	sshrl.u32 s7, $0x3;
	s8 =	sadd.s32 s8, s4  }
0xe: {  	s11 =	simm.s32 $0xC8;
	s7 =	sadd.s32 s5, s7;
	s4 =	sadd.s32 $0x400, s8  }
0xf: {  	s5 =	sadd.s32 $0x464, s8;
	s6 =	sadd.s32 $0x15E00, s7;
	s7 =	sadd.s32 $0x17700, s7  }
0x10: {  	s8 =	smax.u32 s9, $0x1;
	s9 =	sadd.s32 $0x1900, s10;
	s10 =	simm.s32 $0x3  }
.LBB2_1:
0x11: {  	[tilespmem:s3], [sflag:$0x3] =	stream.linear.gather [hbm4b:s4+s3], $0x320, $0x38;
	[tilespmem:$0x1A900] =	vst v63  }
0x12: {  	_ =	swait.ge [sflag:s10], $0x320  }
0x13: {  	[sflag:s10] =	ssyncset.done $0x0  }
0x14: {  	[sflag:s10] =	ssyncadd.s32 $0xFFFFFCE0  }
0x15: {  	[tilespmem:s12], [sflag:$0x1] =	stream.indirect.gather [hbm4b:s1+s11], $0x80, s3, s11, $0xb8;
	[tilespmem:$0x1A900] =	vst v63  }
0x16: {  	_ = 	snop  }
0x17: {  	[tilespmem:s13], [sflag:$0x1] =	stream.indirect.gather [hbm4b:s1+s11], $0x80, s11, s11, $0xb8;
	[tilespmem:$0x1A900] =	vst v63  }
0x18: {  	_ = 	snop  }
0x19: {  	[tilespmem:s15], [sflag:$0x2] =	stream.indirect.gather [hbm4b:s1+s11], $0x80, s14, s11, $0xb8;
	[tilespmem:$0x1A900] =	vst v63  }
0x1a: {  	_ = 	snop  }
0x1b: {  	[tilespmem:s17], [sflag:$0x2] =	stream.indirect.gather [hbm4b:s1+s11], $0x80, s16, s11, $0xb8;
	[tilespmem:$0x1A900] =	vst v63  }
0x1c: {  	_ = 	snop  }
0x1d: {  	[tilespmem:s18], [sflag:$0x3] =	stream.linear.gather [hbm4b:s5+s3], $0x15E0, $0x38;
	[tilespmem:$0x1A900] =	vst v63  }
0x1e: {  	_ =	swait.ge [sflag:s10], $0x15E0  }
0x1f: {  	[sflag:s10] =	ssyncset.done $0x0  }
0x20: {  	[sflag:s10] =	ssyncadd.s32 $0xFFFFEA20  }
0x21: {  	_ =	swait.ge [sflag:s19], $0xC800  }
0x22: {  	[sflag:s19] =	ssyncset.done $0x0  }
0x23: {  	s22 =	sadd.s32 $0xFFFFE700, s9;
	[sflag:s19] =	ssyncadd.s32 $0xFFFF3800  }
0x24: {  	[hbm4b:s22+s3] =	stream.linear.scatter [tilespmem:s12], [sflag:$0x3], $0xC800, $0x38;
	[tilespmem:$0x1A900] =	vst v63  }
0x25: {  	_ =	swait.ge [sflag:s10], $0xC800  }
0x26: {  	[sflag:s10] =	ssyncset.done $0x0  }
0x27: {  	s29 =	simm.s32 $0x320;
	[sflag:s10] =	ssyncadd.s32 $0xFFFF3800  }
0x28: {  	[tilespmem:s12], [sflag:$0x1] =	stream.indirect.gather [hbm4b:s1+s11], $0x80, s29, s11, $0xb8;
	[tilespmem:$0x1A900] =	vst v63  }
0x29: {  	s30 =	simm.s32 $0x3E8  }
0x2a: {  	[tilespmem:s13], [sflag:$0x1] =	stream.indirect.gather [hbm4b:s1+s11], $0x80, s30, s11, $0xb8;
	[tilespmem:$0x1A900] =	vst v63  }
0x2b: {  	_ =	swait.ge [sflag:s20], $0xC800  }
0x2c: {  	[sflag:s20] =	ssyncset.done $0x0  }
0x2d: {  	[sflag:s20] =	ssyncadd.s32 $0xFFFF3800  }
0x2e: {  	[hbm4b:s9+s3] =	stream.linear.scatter [tilespmem:s15], [sflag:$0x3], $0xC800, $0x38;
	[tilespmem:$0x1A900] =	vst v63  }
0x2f: {  	_ =	swait.ge [sflag:s10], $0xC800  }
0x30: {  	s31 =	simm.s32 $0x4B0;
	s24 =	simm.s32 $0x578;
	[sflag:s10] =	ssyncset.done $0x0  }
0x31: {  	s23 =	sadd.s32 $0x3200, s9;
	s22 =	simm.s32 $0xC80;
	[sflag:s10] =	ssyncadd.s32 $0xFFFF3800  }
0x32: {  	[tilespmem:s15], [sflag:$0x2] =	stream.indirect.gather [hbm4b:s1+s11], $0x80, s31, s11, $0xb8;
	[tilespmem:$0x1A900] =	vst v63  }
.LBB2_2:
0x33: {  	[tilespmem:s17], [sflag:$0x2] =	stream.indirect.gather [hbm4b:s1+s11], $0x80, s24, s11, $0xb8;
	[tilespmem:$0x1A900] =	vst v63  }
0x34: {  	s24 =	smov.u32 s22  }
0x35: {  	p0 =	sne.s32 s22, $0x4B00;
	s22 =	sadd.s32 $0xC80, s22;
	_ =	swait.ge [sflag:s19], $0xC800  }
0x36: {  	[sflag:s19] =	ssyncset.done $0x0  }
0x37: {  	s25 =	sadd.s32 $0xFFFFE700, s23;
	[sflag:s19] =	ssyncadd.s32 $0xFFFF3800  }
0x38: {  	[hbm4b:s25+s3] =	stream.linear.scatter [tilespmem:s12], [sflag:$0x3], $0xC800, $0x38;
	[tilespmem:$0x1A900] =	vst v63  }
0x39: {  	_ =	swait.ge [sflag:s10], $0xC800  }
0x3a: {  	s24 =	sshra.s32 s24, $0x2;
	[sflag:s10] =	ssyncset.done $0x0  }
0x3b: {  	s25 =	sadd.s32 $0x320, s24;
	[sflag:s10] =	ssyncadd.s32 $0xFFFF3800  }
0x3c: {  	[tilespmem:s12], [sflag:$0x1] =	stream.indirect.gather [hbm4b:s1+s11], $0x80, s25, s11, $0xb8;
	[tilespmem:$0x1A900] =	vst v63  }
0x3d: {  	s25 =	sadd.s32 $0x3E8, s24  }
0x3e: {  	[tilespmem:s13], [sflag:$0x1] =	stream.indirect.gather [hbm4b:s1+s11], $0x80, s25, s11, $0xb8;
	[tilespmem:$0x1A900] =	vst v63  }
0x3f: {  	_ =	swait.ge [sflag:s20], $0xC800  }
0x40: {  	[sflag:s20] =	ssyncset.done $0x0  }
0x41: {  	[sflag:s20] =	ssyncadd.s32 $0xFFFF3800  }
0x42: {  	[hbm4b:s23+s3] =	stream.linear.scatter [tilespmem:s15], [sflag:$0x3], $0xC800, $0x38;
	[tilespmem:$0x1A900] =	vst v63  }
.Ltmp0:
0x43: {  	_ =	swait.ge [sflag:s10], $0xC800;
	(pc) =	sbr.rel @p0 .LBB2_2-.Ltmp0, $4  }
0x44: {  	[sflag:s10] =	ssyncset.done $0x0  }
0x45: {  	s25 =	sadd.s32 $0x4B0, s24;
	[sflag:s10] =	ssyncadd.s32 $0xFFFF3800  }
0x46: {  	[tilespmem:s15], [sflag:$0x2] =	stream.indirect.gather [hbm4b:s1+s11], $0x80, s25, s11, $0xb8;
	[tilespmem:$0x1A900] =	vst v63  }
0x47: {  	s24 =	sadd.s32 $0x578, s24;
	s23 =	sadd.s32 $0x3200, s23  }
0x48: {  	[tilespmem:s17], [sflag:$0x2] =	stream.indirect.gather [hbm4b:s1+s11], $0x80, s24, s11, $0xb8;
	[tilespmem:$0x1A900] =	vst v63  }
0x49: {  	_ =	swait.ge [sflag:s19], $0xC800  }
0x4a: {  	[sflag:s19] =	ssyncset.done $0x0  }
0x4b: {  	[sflag:s19] =	ssyncadd.s32 $0xFFFF3800  }
0x4c: {  	[hbm4b:s6+s3] =	stream.linear.scatter [tilespmem:s12], [sflag:$0x3], $0xC800, $0x38;
	[tilespmem:$0x1A900] =	vst v63  }
0x4d: {  	_ =	swait.ge [sflag:s10], $0xC800  }
0x4e: {  	[sflag:s10] =	ssyncset.done $0x0  }
0x4f: {  	[sflag:s10] =	ssyncadd.s32 $0xFFFF3800  }
0x50: {  	s21 =	sadd.s32 $0x1, s21;
	_ =	swait.ge [sflag:s20], $0xC800  }
0x51: {  	p0 =	sne.s32 s21, s8;
	[sflag:s20] =	ssyncset.done $0x0  }
.Ltmp1:
0x52: {  	[sflag:s20] =	ssyncadd.s32 $0xFFFF3800;
	(pc) =	sbr.rel @p0 .LBB2_1-.Ltmp1, $4  }
0x53: {  	[hbm4b:s7+s3] =	stream.linear.scatter [tilespmem:s15], [sflag:$0x3], $0xC800, $0x38;
	[tilespmem:$0x1A900] =	vst v63  }
0x54: {  	_ =	swait.ge [sflag:s10], $0xC800  }
0x55: {  	[sflag:s10] =	ssyncset.done $0x0  }
0x56: {  	[sflag:s10] =	ssyncadd.s32 $0xFFFF3800  }
0x57: {  	_ =	sfence.sel $0x180000  }
0x58: {  	[bflag:$0x0] =	sbarrier.arrive $0xFFFF  }
0x59: {  	p0 =	sne.s32 s0, $0x0;
	_ =	strace $0x90000047  }
0x5a: {  	s0 =	sadd.s32 @!p0 $0x100000, s2;
	[bflag:$0x2] =	sbarrier.arrive $0xFFFF  }
0x5b: {  	[sflag:s0] =	ssyncadd.tile.s32 @!p0 $0x1;
	_ =	shalt  }
.Lfunc_end2:
_tile_overlayer_lowered:
.L_overlay_start_2:
0x5c: {  	(tag) =	ssettag $0x2  }
0x5d: {  	s0 =	rddreg [dreg:$0x0];
	s2 =	stileid.u32  }
0x5e: {  	s1 =	rddreg [dreg:$0x1];
	p0 =	sne.s32 s2, $0x0  }
0x5f: {  	s3 =	rddreg [dreg:$0x2];
	[bflag:$0x3] =	sbarrier.arrive $0xFFFF;
	s2 =	simm.s32 @!p0 $0x1C03  }
0x60: {  	[timem:s3], [sflag:s2] =	dma.local @!p0 [hbm:s0], s1  }
0x61: {  	s0 =	simm.s32 @!p0 $0x3  }
0x62: {  	_ =	swait.ge @!p0 [sflag:s0], s1  }
0x63: {  	s1 =	ssub.s32 @!p0 $0x0, s1;
	[sflag:s0] =	ssyncset.done @!p0 $0x0  }
0x64: {  	[sflag:s0] =	ssyncadd.s32 @!p0 s1  }
0x65: {  	[bflag:$0x3] =	sbarrier.arrive $0xFFFF  }
0x66: {  	_ =	shalt  }

</sc_bundles>
